<compile_context>
chip_gen: v7x
topology: tpu7x:2x2x1
jax: 0.10.2.dev20260603
libtpu: 0.0.44.dev20260713+nightly
codegen_flags: <defaults>
</compile_context>

<pallas_src>
import math

import jax
import jax.numpy as jnp
from jax import lax
from jax.experimental import pallas as pl
from jax.experimental.pallas import tpu as pltpu
from jax.experimental.pallas import tpu_sc as plsc

_N = 10000
_E = 320000
_EP = 327680
_D = 128
_NB = 8
_HID = 64
_SQRT2 = math.sqrt(2.0)
_SQRT3 = math.sqrt(3.0)
_INV_SQRT_AVG = 1.0 / math.sqrt(32.0)

_NC = 2
_NS = 16
_NW = _NC * _NS


_GC = 80
_G_PER_W = _EP // _NW
_G_CHUNKS = _G_PER_W // _GC
_RING = 2


def _gather_body(feats_hbm, senders_hbm, out_hbm, idx_all, rows, table_sh,
                 sem_g, sem_w):
    c = lax.axis_index("c")
    s = lax.axis_index("s")
    wid = s * _NC + c
    base = wid * _G_PER_W

    nbase = s * _N_STRIPE
    pltpu.sync_copy(feats_hbm.at[pl.ds(nbase, _N_STRIPE)],
                    table_sh.at[pl.ds(nbase, _N_STRIPE)])

    @pl.when(s == _NS - 1)
    def _():
        tail = _N_TAIL - _N_STRIPE
        pltpu.sync_copy(feats_hbm.at[pl.ds(16 * _N_STRIPE, tail)],
                        table_sh.at[pl.ds(16 * _N_STRIPE, tail)])

    pltpu.sync_copy(senders_hbm.at[pl.ds(base, _G_PER_W)], idx_all)
    plsc.subcore_barrier()

    def start_gather(i, b):
        pltpu.async_copy(
            table_sh.at[idx_all.at[pl.ds(i * _GC, _GC)]], rows[b], sem_g[b])

    def wait_gather(b):
        pltpu.make_async_copy(
            table_sh.at[idx_all.at[pl.ds(0, _GC)]], rows[b], sem_g[b]).wait()

    def start_writeout(i, b):
        pltpu.async_copy(
            rows[b], out_hbm.at[pl.ds(base + i * _GC, _GC)], sem_w[b])

    def wait_writeout(b):
        pltpu.make_async_copy(
            rows[b], out_hbm.at[pl.ds(base, _GC)], sem_w[b]).wait()

    start_gather(0, 0)

    def outer(j, _):
        for b in range(_RING):
            i = j * _RING + b
            nb = (b + 1) % _RING

            @pl.when(i >= _RING - 1)
            def _():
                wait_writeout(nb)

            @pl.when(i + 1 < _G_CHUNKS)
            def _():
                start_gather(i + 1, nb)

            wait_gather(b)
            start_writeout(i, b)
        return ()

    lax.fori_loop(0, _G_CHUNKS // _RING, outer, ())
    for b in range(1, _RING):
        wait_writeout(b)


@jax.jit
def _sc_gather(node_feats, senders):
    return pl.kernel(
        _gather_body,
        out_type=jax.ShapeDtypeStruct((_EP, _D), jnp.float32),
        mesh=plsc.VectorSubcoreMesh(core_axis_name="c", subcore_axis_name="s"),
        scratch_types=[
            pltpu.VMEM((_G_PER_W,), jnp.int32),
            [pltpu.VMEM((_GC, _D), jnp.float32) for _ in range(_RING)],
            pltpu.VMEM_SHARED((_N, _D), jnp.float32),
            [pltpu.SemaphoreType.DMA for _ in range(_RING)],
            [pltpu.SemaphoreType.DMA for _ in range(_RING)],
        ],
    )(node_feats, senders)



_BE = 2048
_BR = _BE // 128

_COSPI = (1.0, -4.934802200544679, 4.058712126416768, -1.3352627688545895,
          0.23533063035889327, -0.025806891390014925, 0.0019295743094039554)
_SINPI = (3.141592653589793, -5.16771278004997, 2.550164039877345,
          -0.5992645293207921, 0.08214588661112823, -0.007370430945714351,
          0.00046630280576761256)


def _poly(u, coefs):
    acc = jnp.full_like(u, coefs[-1])
    for cc in coefs[-2::-1]:
        acc = acc * u + cc
    return acc


def _msg_body(vx_ref, vy_ref, vz_ref, feat_ref, w1_ref, w2_ref, w3_ref,
              out_ref):
    vx = vx_ref[...]
    vy = vy_ref[...]
    vz = vz_ref[...]
    len2 = vx * vx + vy * vy + vz * vz
    x = jnp.sqrt(len2)
    is_zero = x == 0.0
    x_safe = jnp.where(is_zero, 1.0, x)
    inv_x = 1.0 / x_safe
    xc = jnp.minimum(x, 1.0)
    t = xc - 0.5
    u = t * t
    s1 = _poly(u, _COSPI)
    c1 = -t * _poly(u, _SINPI)
    e2 = xc * xc
    e4 = e2 * e2
    e6 = e4 * e2
    env = 1.0 - 28.0 * e6 + 48.0 * e6 * xc - 21.0 * e4 * e4
    scale = jnp.where(is_zero, 0.0, _SQRT2 * env * inv_x)
    twoc = 2.0 * c1
    sk_m1 = jnp.zeros_like(s1)
    sk = s1
    rows = []
    for _ in range(_NB):
        rows.append((sk * scale).reshape(1, _BE))
        sk, sk_m1 = twoc * sk - sk_m1, sk
    y1s = _SQRT3 * inv_x
    rows.append((vx * y1s).reshape(1, _BE))
    rows.append((vy * y1s).reshape(1, _BE))
    rows.append((vz * y1s).reshape(1, _BE))
    bundle = jnp.concatenate(rows, axis=0)
    tb = bundle.T
    radial = tb[:, :_NB]
    y1 = tb[:, _NB:]
    inv_s8 = 1.0 / math.sqrt(8.0)
    hp = jax.lax.Precision.DEFAULT
    h = jnp.dot(radial, w1_ref[...], precision=hp) * inv_s8
    h = h * jax.nn.sigmoid(h)
    h = jnp.dot(h, w2_ref[...], precision=hp) * 0.125
    h = h * jax.nn.sigmoid(h)
    mix = jnp.dot(h, w3_ref[...], precision=hp) * (0.125 * _INV_SQRT_AVG)
    feat = feat_ref[...]
    ms = feat * mix[:, :_D]
    mv = feat * mix[:, _D:]
    out_ref[0, :, :] = ms
    out_ref[1, :, :] = mv * y1[:, 0:1]
    out_ref[2, :, :] = mv * y1[:, 1:2]
    out_ref[3, :, :] = mv * y1[:, 2:3]


@jax.jit
def _messages(vx2, vy2, vz2, feat_g, W1, W2, W3):
    return pl.pallas_call(
        _msg_body,
        grid=(_EP // _BE,),
        in_specs=[
            pl.BlockSpec((_BR, 128), lambda i: (i, 0)),
            pl.BlockSpec((_BR, 128), lambda i: (i, 0)),
            pl.BlockSpec((_BR, 128), lambda i: (i, 0)),
            pl.BlockSpec((_BE, _D), lambda i: (i, 0)),
            pl.BlockSpec((_NB, _HID), lambda i: (0, 0)),
            pl.BlockSpec((_HID, _HID), lambda i: (0, 0)),
            pl.BlockSpec((_HID, 2 * _D), lambda i: (0, 0)),
        ],
        out_specs=pl.BlockSpec((4, _BE, _D), lambda i: (0, i, 0)),
        out_shape=jax.ShapeDtypeStruct((4, _EP, _D), jnp.float32),
    )(vx2, vy2, vz2, feat_g, W1, W2, W3)



_SCK = 128
_S_PER_W = _EP // _NS
_S_CHUNKS = _S_PER_W // _SCK
_N_STRIPE = 624
_N_TAIL = _N - 15 * _N_STRIPE
_SRING = 2


def _scatter_body(msg_hbm, recv_hbm, zeros_hbm, out_hbm,
                  ridx, rows, acc_sh, sem_l):
    c = lax.axis_index("c")
    s = lax.axis_index("s")
    ebase = s * _S_PER_W
    nbase = s * _N_STRIPE

    def start_loads(g, i, b):
        off = ebase + i * _SCK
        pltpu.async_copy(recv_hbm.at[pl.ds(off, _SCK)], ridx[b], sem_l[b])
        pltpu.async_copy(msg_hbm.at[pl.ds(g * _EP + off, _SCK)], rows[b],
                         sem_l[b])

    def wait_loads(b):
        pltpu.make_async_copy(
            recv_hbm.at[pl.ds(0, _SCK)], ridx[b], sem_l[b]).wait()
        pltpu.make_async_copy(
            msg_hbm.at[pl.ds(0, _SCK)], rows[b], sem_l[b]).wait()

    def do_scatter(b):
        pltpu.sync_copy(rows[b], acc_sh.at[ridx[b]], add=True)

    def one_group(g):
        pltpu.sync_copy(zeros_hbm.at[pl.ds(0, _N_STRIPE)],
                        acc_sh.at[pl.ds(nbase, _N_STRIPE)])

        @pl.when(s == _NS - 1)
        def _():
            tail = _N_TAIL - _N_STRIPE
            pltpu.sync_copy(zeros_hbm.at[pl.ds(_N_STRIPE, tail)],
                            acc_sh.at[pl.ds(15 * _N_STRIPE + _N_STRIPE, tail)])

        plsc.subcore_barrier()

        start_loads(g, 0, 0)

        def outer(j, _):
            for b in range(_SRING):
                i = j * _SRING + b
                nb = (b + 1) % _SRING

                @pl.when(i + 1 < _S_CHUNKS)
                def _():
                    start_loads(g, i + 1, nb)

                wait_loads(b)
                do_scatter(b)
            return ()

        lax.fori_loop(0, _S_CHUNKS // _SRING, outer, ())
        plsc.subcore_barrier()
        pltpu.sync_copy(acc_sh.at[pl.ds(nbase, _N_STRIPE)],
                        out_hbm.at[pl.ds(g * _N + nbase, _N_STRIPE)])

        @pl.when(s == _NS - 1)
        def _():
            tail = _N_TAIL - _N_STRIPE
            pltpu.sync_copy(
                acc_sh.at[pl.ds(16 * _N_STRIPE, tail)],
                out_hbm.at[pl.ds(g * _N + 16 * _N_STRIPE, tail)])

        plsc.subcore_barrier()

    one_group(c * 2)
    one_group(c * 2 + 1)


@jax.jit
def _sc_scatter(msg4, receivers, zeros_block):
    msg_flat = msg4.reshape(4 * _EP, _D)
    out = pl.kernel(
        _scatter_body,
        out_type=jax.ShapeDtypeStruct((4 * _N, _D), jnp.float32),
        mesh=plsc.VectorSubcoreMesh(core_axis_name="c", subcore_axis_name="s"),
        scratch_types=[
            [pltpu.VMEM((_SCK,), jnp.int32) for _ in range(_SRING)],
            [pltpu.VMEM((_SCK, _D), jnp.float32) for _ in range(_SRING)],
            pltpu.VMEM_SHARED((_N, _D), jnp.float32),
            [pltpu.SemaphoreType.DMA for _ in range(_SRING)],
        ],
    )(msg_flat, receivers, zeros_block)
    return out.reshape(4, _N, _D)




def kernel(vectors, node_feats, senders, receivers, W1, W2, W3):
    N, d = node_feats.shape
    pad = _EP - _E
    vp = jnp.pad(vectors, ((0, pad), (0, 0)))
    vx2 = vp[:, 0].reshape(_EP // 128, 128)
    vy2 = vp[:, 1].reshape(_EP // 128, 128)
    vz2 = vp[:, 2].reshape(_EP // 128, 128)
    senders_p = jnp.pad(senders.astype(jnp.int32), (0, pad))
    receivers_p = jnp.pad(receivers.astype(jnp.int32), (0, pad))
    feat_g = _sc_gather(node_feats, senders_p)
    msg4 = _messages(vx2, vy2, vz2, feat_g, W1, W2, W3)
    zeros_block = jnp.zeros((_N_TAIL, _D), jnp.float32)
    out4 = _sc_scatter(msg4, receivers_p, zeros_block)
    out_s = out4[0]
    out_v = out4[1:].transpose(1, 2, 0).reshape(N, 3 * d)
    return jnp.concatenate([out_s, out_v], axis=1)

# --- scband reference (transcript-rebuilt; emitter-appended) ---
"""Pipeline reference for scband-message-passing-convolution-2920577761402 (READ-ONLY COPY).

The authoritative reference and input builder live on the scoring server;
editing this copy changes nothing except your own understanding.
"""

import jax, jax.numpy as jnp
import numpy as np

N = 10000
E = 320000
D = 128
AVG_NEIGHBORS = 32.0
N_BASIS = 8
HIDDEN = 64


def setup_inputs(seed: int = 0) -> dict:
    key = jax.random.key(seed)
    k1, k2, k3, k4, k5, k6, k7 = jax.random.split(key, 7)
    vectors = jax.random.normal(k1, (E, 3), dtype=jnp.float32) * 0.3
    node_feats = jax.random.normal(k2, (N, D), dtype=jnp.float32)
    senders = jax.random.randint(k3, (E,), 0, N)
    receivers = jax.random.randint(k4, (E,), 0, N)
    W1 = jax.random.normal(k5, (N_BASIS, HIDDEN), dtype=jnp.float32)
    W2 = jax.random.normal(k6, (HIDDEN, HIDDEN), dtype=jnp.float32)
    W3 = jax.random.normal(k7, (HIDDEN, 2 * D), dtype=jnp.float32)
    return {"vectors": vectors, "node_feats": node_feats, "senders": senders,
            "receivers": receivers, "W1": W1, "W2": W2, "W3": W3}


def _envelope(x):
    # e3nn.poly_envelope(5, 2): smooth cutoff, 1 at x=0, 0 (with smooth derivatives) at x=1
    u = 1.0 - 28.0 * x**6 + 48.0 * x**7 - 21.0 * x**8
    return jnp.where(x < 1.0, u, 0.0)


def _bessel(x, n):
    # e3nn.bessel with x_max=1: sqrt(2) * sin(k*pi*x)/x, k=1..n
    x_safe = jnp.where(x == 0.0, 1.0, x)
    ks = jnp.arange(1, n + 1, dtype=x.dtype)
    return jnp.sqrt(2.0) * jnp.sin(ks[None, :] * jnp.pi * x_safe[:, None]) / x_safe[:, None]


def reference(vectors, node_feats, senders, receivers, W1, W2, W3):
    d = node_feats.shape[1]
    n_nodes = node_feats.shape[0]
    # gather messages from senders (node_feats are 128x0e scalars)
    msg_s = node_feats[senders]                       # [E, d]  (d x 0e)
    lengths = jnp.linalg.norm(vectors, axis=1, keepdims=True)
    len_safe = jnp.where(lengths == 0.0, 1.0, lengths)
    unit = vectors / len_safe
    # spherical harmonics l=1, normalize=True, 'component' normalization: sqrt(3) * unit
    # (l=2,3 SH channels are removed by filter_ir_out=target_irreps since 0e x l -> l)
    Y1 = jnp.sqrt(3.0) * unit                         # [E, 3]
    # tensor_product(d x 0e, 1o) -> d x 1o
    msg_v = msg_s[:, :, None] * Y1[:, None, :]        # [E, d, 3]
    # radial MLP input: bessel basis * polynomial envelope, zeroed for zero-length edges
    x = lengths[:, 0]
    radial = _bessel(x, N_BASIS) * _envelope(x)[:, None]
    radial = jnp.where(lengths == 0.0, 0.0, radial)   # [E, 8]
    # e3nn MultiLayerPerceptron: linear layers without bias, 1/sqrt(fan_in) scaling, swish
    h = jax.nn.swish(radial @ W1 / jnp.sqrt(radial.shape[-1]))
    h = jax.nn.swish(h @ W2 / jnp.sqrt(h.shape[-1]))
    mix = h @ W3 / jnp.sqrt(h.shape[-1])              # [E, 2d] -> one weight per irrep
    msg_s = msg_s * mix[:, :d]
    msg_v = msg_v * mix[:, d:, None]
    # scatter-add into receivers
    out_s = jnp.zeros((n_nodes, d), msg_s.dtype).at[receivers].add(msg_s)
    out_v = jnp.zeros((n_nodes, d, 3), msg_v.dtype).at[receivers].add(msg_v)
    out = jnp.concatenate([out_s, out_v.reshape(n_nodes, d * 3)], axis=1)
    return out / jnp.sqrt(AVG_NEIGHBORS)

if __name__ == "__main__":
    import jax
    _d = setup_inputs()
    print(jax.jit(kernel)(*tuple(_d.values())))

</pallas_src>

<mosaic_0001>
#map = affine_map<(d0, d1) -> (0, 0)>
#map1 = affine_map<(d0, d1) -> (0)>
module attributes {stable_mosaic.version = 14 : i64} {
  func.func @_gather_body(%arg0: i32, %arg1: i32, %arg2: memref<10000x128xf32, #tpu.memory_space<hbm>>, %arg3: memref<327680xi32, #tpu.memory_space<hbm>>, %arg4: memref<327680x128xf32, #tpu.memory_space<hbm>>, %arg5: memref<10240xi32, #tpu.memory_space<vmem>>, %arg6: memref<80x128xf32, #tpu.memory_space<vmem>>, %arg7: memref<80x128xf32, #tpu.memory_space<vmem>>, %arg8: memref<10000x128xf32, #tpu.memory_space<vmem_shared>>, %arg9: memref<!tpu.dma_semaphore, #tpu.memory_space<semaphore_mem>>, %arg10: memref<!tpu.dma_semaphore, #tpu.memory_space<semaphore_mem>>, %arg11: memref<!tpu.dma_semaphore, #tpu.memory_space<semaphore_mem>>, %arg12: memref<!tpu.dma_semaphore, #tpu.memory_space<semaphore_mem>>) attributes {dimension_semantics = [#tpu.dimension_semantics<core_parallel>, #tpu.dimension_semantics<subcore_parallel>], iteration_bounds = array<i64: 2, 16>, scalar_prefetch = 0 : i64, scratch_operands = 8 : i64, tpu.core_type = #tpu.core_type<sc_vector_subcore>, window_params = [{transform_indices = #map}, {transform_indices = #map1}, {transform_indices = #map}]} {
    %mul3A = arith.constant 2 : i32
    %mul3A_0 = arith.muli %arg1, %mul3A : i32
    %add3A = arith.addi %mul3A_0, %arg0 : i32
    %mul3A_1 = arith.constant 10240 : i32
    %mul3A_2 = arith.muli %add3A, %mul3A_1 : i32
    %mul3A_3 = arith.constant 624 : i32
    %mul3A_4 = arith.muli %arg1, %mul3A_3 : i32
    "tpu.region"() ({
      %run_scoped3A = tpu.sem_alloc : memref<!tpu.dma_semaphore, #tpu.memory_space<semaphore_mem>>
      %dma_start3A_18 = arith.constant 0 : i32
      %dma_start3A_19 = tpu.memref_slice %arg8[%mul3A_4, %dma_start3A_18] : memref<10000x128xf32, #tpu.memory_space<vmem_shared>> -> memref<624x128xf32, #tpu.memory_space<vmem_shared>>
      %dma_start3A_20 = arith.constant 0 : i32
      %dma_start3A_21 = tpu.memref_slice %arg2[%mul3A_4, %dma_start3A_20] : memref<10000x128xf32, #tpu.memory_space<hbm>> -> memref<624x128xf32, #tpu.memory_space<hbm>>
      tpu.enqueue_dma source(%dma_start3A_21 : memref<624x128xf32, #tpu.memory_space<hbm>>) target(%dma_start3A_19 : memref<624x128xf32, #tpu.memory_space<vmem_shared>>) target_semaphore(%run_scoped3A : memref<!tpu.dma_semaphore, #tpu.memory_space<semaphore_mem>>)
      %dma_wait3A_22 = arith.constant 0 : i32
      %dma_wait3A_23 = tpu.memref_slice %arg8[%mul3A_4, %dma_wait3A_22] : memref<10000x128xf32, #tpu.memory_space<vmem_shared>> -> memref<624x128xf32, #tpu.memory_space<vmem_shared>>
      %dma_wait3A_24 = arith.constant 0 : i32
      %dma_wait3A_25 = tpu.memref_slice %arg2[%mul3A_4, %dma_wait3A_24] : memref<10000x128xf32, #tpu.memory_space<hbm>> -> memref<624x128xf32, #tpu.memory_space<hbm>>
      tpu.wait_dma2 semaphore(%run_scoped3A : memref<!tpu.dma_semaphore, #tpu.memory_space<semaphore_mem>>) src(%dma_wait3A_25 : memref<624x128xf32, #tpu.memory_space<hbm>>) dst(%dma_wait3A_23 : memref<624x128xf32, #tpu.memory_space<vmem_shared>>)
      tpu.yield
    }) : () -> ()
    %eq3A = arith.constant 15 : i32
    %eq3A_5 = arith.cmpi eq, %arg1, %eq3A : i32
    %convert_element_type3A = arith.extui %eq3A_5 : i1 to i32
    %cond3A = arith.constant 0 : i32
    %cond3A_6 = arith.cmpi ne, %convert_element_type3A, %cond3A : i32
    scf.if %cond3A_6 {
      "tpu.region"() ({
        %run_scoped3A = tpu.sem_alloc : memref<!tpu.dma_semaphore, #tpu.memory_space<semaphore_mem>>
        %dma_start3A_18 = arith.constant 9984 : i32
        %dma_start3A_19 = arith.constant 0 : i32
        %dma_start3A_20 = tpu.memref_slice %arg8[%dma_start3A_18, %dma_start3A_19] : memref<10000x128xf32, #tpu.memory_space<vmem_shared>> -> memref<16x128xf32, #tpu.memory_space<vmem_shared>>
        %dma_start3A_21 = arith.constant 9984 : i32
        %dma_start3A_22 = arith.constant 0 : i32
        %dma_start3A_23 = tpu.memref_slice %arg2[%dma_start3A_21, %dma_start3A_22] : memref<10000x128xf32, #tpu.memory_space<hbm>> -> memref<16x128xf32, #tpu.memory_space<hbm>>
        tpu.enqueue_dma source(%dma_start3A_23 : memref<16x128xf32, #tpu.memory_space<hbm>>) target(%dma_start3A_20 : memref<16x128xf32, #tpu.memory_space<vmem_shared>>) target_semaphore(%run_scoped3A : memref<!tpu.dma_semaphore, #tpu.memory_space<semaphore_mem>>)
        %dma_wait3A_24 = arith.constant 9984 : i32
        %dma_wait3A_25 = arith.constant 0 : i32
        %dma_wait3A_26 = tpu.memref_slice %arg8[%dma_wait3A_24, %dma_wait3A_25] : memref<10000x128xf32, #tpu.memory_space<vmem_shared>> -> memref<16x128xf32, #tpu.memory_space<vmem_shared>>
        %dma_wait3A_27 = arith.constant 9984 : i32
        %dma_wait3A_28 = arith.constant 0 : i32
        %dma_wait3A_29 = tpu.memref_slice %arg2[%dma_wait3A_27, %dma_wait3A_28] : memref<10000x128xf32, #tpu.memory_space<hbm>> -> memref<16x128xf32, #tpu.memory_space<hbm>>
        tpu.wait_dma2 semaphore(%run_scoped3A : memref<!tpu.dma_semaphore, #tpu.memory_space<semaphore_mem>>) src(%dma_wait3A_29 : memref<16x128xf32, #tpu.memory_space<hbm>>) dst(%dma_wait3A_26 : memref<16x128xf32, #tpu.memory_space<vmem_shared>>)
        tpu.yield
      }) : () -> ()
    } else {
    }
    "tpu.region"() ({
      %run_scoped3A = tpu.sem_alloc : memref<!tpu.dma_semaphore, #tpu.memory_space<semaphore_mem>>
      %dma_start3A_18 = tpu.memref_slice %arg3[%mul3A_2] : memref<327680xi32, #tpu.memory_space<hbm>> -> memref<10240xi32, #tpu.memory_space<hbm>>
      %dma_start3A_19 = tpu.memref_slice %arg3[%mul3A_2] : memref<327680xi32, #tpu.memory_space<hbm>> -> memref<10240xi32, #tpu.memory_space<hbm>>
      tpu.enqueue_dma source(%dma_start3A_19 : memref<10240xi32, #tpu.memory_space<hbm>>) target(%arg5 : memref<10240xi32, #tpu.memory_space<vmem>>) target_semaphore(%run_scoped3A : memref<!tpu.dma_semaphore, #tpu.memory_space<semaphore_mem>>)
      %dma_wait3A_20 = tpu.memref_slice %arg3[%mul3A_2] : memref<327680xi32, #tpu.memory_space<hbm>> -> memref<10240xi32, #tpu.memory_space<hbm>>
      %dma_wait3A_21 = tpu.memref_slice %arg3[%mul3A_2] : memref<327680xi32, #tpu.memory_space<hbm>> -> memref<10240xi32, #tpu.memory_space<hbm>>
      tpu.wait_dma2 semaphore(%run_scoped3A : memref<!tpu.dma_semaphore, #tpu.memory_space<semaphore_mem>>) src(%dma_wait3A_21 : memref<10240xi32, #tpu.memory_space<hbm>>) dst(%arg5 : memref<10240xi32, #tpu.memory_space<vmem>>)
      tpu.yield
    }) : () -> ()
    %barrier3A = arith.constant 0 : index
    tpu.barrier barrier_id(%barrier3A)
    %dma_start3A = arith.constant 0 : i32
    %dma_start3A_7 = tpu.memref_slice %arg5[%dma_start3A] : memref<10240xi32, #tpu.memory_space<vmem>> -> memref<80xi32, #tpu.memory_space<vmem>>
    %dma_start3A_8 = arith.constant 0 : i32
    %dma_start3A_9 = arith.constant 0 : i32
    %dma_start3A_10 = tpu.memref_slice %arg8[%dma_start3A_8, %dma_start3A_9] : memref<10000x128xf32, #tpu.memory_space<vmem_shared>> -> memref<10000x128xf32, #tpu.memory_space<vmem_shared>>
    tpu.enqueue_indirect_dma source(%dma_start3A_10 : memref<10000x128xf32, #tpu.memory_space<vmem_shared>>) target(%arg6 : memref<80x128xf32, #tpu.memory_space<vmem>>) offsets(%dma_start3A_7 : memref<80xi32, #tpu.memory_space<vmem>>) semaphore(%arg9 : memref<!tpu.dma_semaphore, #tpu.memory_space<semaphore_mem>>)
    %scan3A = arith.constant 0 : i32
    %scan3A_11 = arith.constant 64 : i32
    %scan3A_12 = arith.addi %scan3A, %scan3A_11 : i32
    %scan3A_13 = arith.constant 1 : i32
    scf.for %scan3A_18 = %scan3A to %scan3A_12 step %scan3A_13  : i32 {
      %mul3A_19 = arith.constant 2 : i32
      %mul3A_20 = arith.muli %scan3A_18, %mul3A_19 : i32
      %add3A_21 = arith.constant 0 : i32
      %add3A_22 = arith.addi %mul3A_20, %add3A_21 : i32
      %ge3A = arith.constant 1 : i32
      %ge3A_23 = arith.cmpi sge, %add3A_22, %ge3A : i32
      %convert_element_type3A_24 = arith.extui %ge3A_23 : i1 to i32
      %cond3A_25 = arith.constant 0 : i32
      %cond3A_26 = arith.cmpi ne, %convert_element_type3A_24, %cond3A_25 : i32
      scf.if %cond3A_26 {
        %dma_wait3A_73 = arith.constant 0 : i32
        %dma_wait3A_74 = tpu.memref_slice %arg4[%mul3A_2, %dma_wait3A_73] : memref<327680x128xf32, #tpu.memory_space<hbm>> -> memref<80x128xf32, #tpu.memory_space<hbm>>
        %dma_wait3A_75 = arith.constant 0 : i32
        %dma_wait3A_76 = tpu.memref_slice %arg4[%mul3A_2, %dma_wait3A_75] : memref<327680x128xf32, #tpu.memory_space<hbm>> -> memref<80x128xf32, #tpu.memory_space<hbm>>
        tpu.wait_dma2 semaphore(%arg12 : memref<!tpu.dma_semaphore, #tpu.memory_space<semaphore_mem>>) src(%arg7 : memref<80x128xf32, #tpu.memory_space<vmem>>) dst(%dma_wait3A_76 : memref<80x128xf32, #tpu.memory_space<hbm>>)
      } else {
      }
      %add3A_27 = arith.constant 1 : i32
      %add3A_28 = arith.addi %add3A_22, %add3A_27 : i32
      %lt3A = arith.constant 128 : i32
      %lt3A_29 = arith.cmpi slt, %add3A_28, %lt3A : i32
      %convert_element_type3A_30 = arith.extui %lt3A_29 : i1 to i32
      %cond3A_31 = arith.constant 0 : i32
      %cond3A_32 = arith.cmpi ne, %convert_element_type3A_30, %cond3A_31 : i32
      scf.if %cond3A_32 {
        %add3A_73 = arith.constant 1 : i32
        %add3A_74 = arith.addi %add3A_22, %add3A_73 : i32
        %mul3A_75 = arith.constant 80 : i32
        %mul3A_76 = arith.muli %add3A_74, %mul3A_75 : i32
        %dma_start3A_77 = tpu.memref_slice %arg5[%mul3A_76] : memref<10240xi32, #tpu.memory_space<vmem>> -> memref<80xi32, #tpu.memory_space<vmem>>
        %dma_start3A_78 = arith.constant 0 : i32
        %dma_start3A_79 = arith.constant 0 : i32
        %dma_start3A_80 = tpu.memref_slice %arg8[%dma_start3A_78, %dma_start3A_79] : memref<10000x128xf32, #tpu.memory_space<vmem_shared>> -> memref<10000x128xf32, #tpu.memory_space<vmem_shared>>
        tpu.enqueue_indirect_dma source(%dma_start3A_80 : memref<10000x128xf32, #tpu.memory_space<vmem_shared>>) target(%arg7 : memref<80x128xf32, #tpu.memory_space<vmem>>) offsets(%dma_start3A_77 : memref<80xi32, #tpu.memory_space<vmem>>) semaphore(%arg10 : memref<!tpu.dma_semaphore, #tpu.memory_space<semaphore_mem>>)
      } else {
      }
      %dma_wait3A_33 = arith.constant 0 : i32
      %dma_wait3A_34 = tpu.memref_slice %arg5[%dma_wait3A_33] : memref<10240xi32, #tpu.memory_space<vmem>> -> memref<80xi32, #tpu.memory_space<vmem>>
      %dma_wait3A_35 = arith.constant 0 : i32
      %dma_wait3A_36 = arith.constant 0 : i32
      %dma_wait3A_37 = tpu.memref_slice %arg8[%dma_wait3A_35, %dma_wait3A_36] : memref<10000x128xf32, #tpu.memory_space<vmem_shared>> -> memref<10000x128xf32, #tpu.memory_space<vmem_shared>>
      tpu.wait_indirect_dma semaphore(%arg9 : memref<!tpu.dma_semaphore, #tpu.memory_space<semaphore_mem>>) src(%dma_wait3A_37 : memref<10000x128xf32, #tpu.memory_space<vmem_shared>>) dst(%arg6 : memref<80x128xf32, #tpu.memory_space<vmem>>)
      %mul3A_38 = arith.constant 80 : i32
      %mul3A_39 = arith.muli %add3A_22, %mul3A_38 : i32
      %add3A_40 = arith.addi %mul3A_2, %mul3A_39 : i32
      %dma_start3A_41 = arith.constant 0 : i32
      %dma_start3A_42 = tpu.memref_slice %arg4[%add3A_40, %dma_start3A_41] : memref<327680x128xf32, #tpu.memory_space<hbm>> -> memref<80x128xf32, #tpu.memory_space<hbm>>
      %dma_start3A_43 = arith.constant 0 : i32
      %dma_start3A_44 = tpu.memref_slice %arg4[%add3A_40, %dma_start3A_43] : memref<327680x128xf32, #tpu.memory_space<hbm>> -> memref<80x128xf32, #tpu.memory_space<hbm>>
      tpu.enqueue_dma source(%arg6 : memref<80x128xf32, #tpu.memory_space<vmem>>) target(%dma_start3A_44 : memref<80x128xf32, #tpu.memory_space<hbm>>) target_semaphore(%arg11 : memref<!tpu.dma_semaphore, #tpu.memory_space<semaphore_mem>>)
      %mul3A_45 = arith.constant 2 : i32
      %mul3A_46 = arith.muli %scan3A_18, %mul3A_45 : i32
      %add3A_47 = arith.constant 1 : i32
      %add3A_48 = arith.addi %mul3A_46, %add3A_47 : i32
      %ge3A_49 = arith.constant 1 : i32
      %ge3A_50 = arith.cmpi sge, %add3A_48, %ge3A_49 : i32
      %convert_element_type3A_51 = arith.extui %ge3A_50 : i1 to i32
      %cond3A_52 = arith.constant 0 : i32
      %cond3A_53 = arith.cmpi ne, %convert_element_type3A_51, %cond3A_52 : i32
      scf.if %cond3A_53 {
        %dma_wait3A_73 = arith.constant 0 : i32
        %dma_wait3A_74 = tpu.memref_slice %arg4[%mul3A_2, %dma_wait3A_73] : memref<327680x128xf32, #tpu.memory_space<hbm>> -> memref<80x128xf32, #tpu.memory_space<hbm>>
        %dma_wait3A_75 = arith.constant 0 : i32
        %dma_wait3A_76 = tpu.memref_slice %arg4[%mul3A_2, %dma_wait3A_75] : memref<327680x128xf32, #tpu.memory_space<hbm>> -> memref<80x128xf32, #tpu.memory_space<hbm>>
        tpu.wait_dma2 semaphore(%arg11 : memref<!tpu.dma_semaphore, #tpu.memory_space<semaphore_mem>>) src(%arg6 : memref<80x128xf32, #tpu.memory_space<vmem>>) dst(%dma_wait3A_76 : memref<80x128xf32, #tpu.memory_space<hbm>>)
      } else {
      }
      %add3A_54 = arith.constant 1 : i32
      %add3A_55 = arith.addi %add3A_48, %add3A_54 : i32
      %lt3A_56 = arith.constant 128 : i32
      %lt3A_57 = arith.cmpi slt, %add3A_55, %lt3A_56 : i32
      %convert_element_type3A_58 = arith.extui %lt3A_57 : i1 to i32
      %cond3A_59 = arith.constant 0 : i32
      %cond3A_60 = arith.cmpi ne, %convert_element_type3A_58, %cond3A_59 : i32
      scf.if %cond3A_60 {
        %add3A_73 = arith.constant 1 : i32
        %add3A_74 = arith.addi %add3A_48, %add3A_73 : i32
        %mul3A_75 = arith.constant 80 : i32
        %mul3A_76 = arith.muli %add3A_74, %mul3A_75 : i32
        %dma_start3A_77 = tpu.memref_slice %arg5[%mul3A_76] : memref<10240xi32, #tpu.memory_space<vmem>> -> memref<80xi32, #tpu.memory_space<vmem>>
        %dma_start3A_78 = arith.constant 0 : i32
        %dma_start3A_79 = arith.constant 0 : i32
        %dma_start3A_80 = tpu.memref_slice %arg8[%dma_start3A_78, %dma_start3A_79] : memref<10000x128xf32, #tpu.memory_space<vmem_shared>> -> memref<10000x128xf32, #tpu.memory_space<vmem_shared>>
        tpu.enqueue_indirect_dma source(%dma_start3A_80 : memref<10000x128xf32, #tpu.memory_space<vmem_shared>>) target(%arg6 : memref<80x128xf32, #tpu.memory_space<vmem>>) offsets(%dma_start3A_77 : memref<80xi32, #tpu.memory_space<vmem>>) semaphore(%arg9 : memref<!tpu.dma_semaphore, #tpu.memory_space<semaphore_mem>>)
      } else {
      }
      %dma_wait3A_61 = arith.constant 0 : i32
      %dma_wait3A_62 = tpu.memref_slice %arg5[%dma_wait3A_61] : memref<10240xi32, #tpu.memory_space<vmem>> -> memref<80xi32, #tpu.memory_space<vmem>>
      %dma_wait3A_63 = arith.constant 0 : i32
      %dma_wait3A_64 = arith.constant 0 : i32
      %dma_wait3A_65 = tpu.memref_slice %arg8[%dma_wait3A_63, %dma_wait3A_64] : memref<10000x128xf32, #tpu.memory_space<vmem_shared>> -> memref<10000x128xf32, #tpu.memory_space<vmem_shared>>
      tpu.wait_indirect_dma semaphore(%arg10 : memref<!tpu.dma_semaphore, #tpu.memory_space<semaphore_mem>>) src(%dma_wait3A_65 : memref<10000x128xf32, #tpu.memory_space<vmem_shared>>) dst(%arg7 : memref<80x128xf32, #tpu.memory_space<vmem>>)
      %mul3A_66 = arith.constant 80 : i32
      %mul3A_67 = arith.muli %add3A_48, %mul3A_66 : i32
      %add3A_68 = arith.addi %mul3A_2, %mul3A_67 : i32
      %dma_start3A_69 = arith.constant 0 : i32
      %dma_start3A_70 = tpu.memref_slice %arg4[%add3A_68, %dma_start3A_69] : memref<327680x128xf32, #tpu.memory_space<hbm>> -> memref<80x128xf32, #tpu.memory_space<hbm>>
      %dma_start3A_71 = arith.constant 0 : i32
      %dma_start3A_72 = tpu.memref_slice %arg4[%add3A_68, %dma_start3A_71] : memref<327680x128xf32, #tpu.memory_space<hbm>> -> memref<80x128xf32, #tpu.memory_space<hbm>>
      tpu.enqueue_dma source(%arg7 : memref<80x128xf32, #tpu.memory_space<vmem>>) target(%dma_start3A_72 : memref<80x128xf32, #tpu.memory_space<hbm>>) target_semaphore(%arg12 : memref<!tpu.dma_semaphore, #tpu.memory_space<semaphore_mem>>)
    }
    %scan3A_14 = arith.constant 64 : i32
    %dma_wait3A = arith.constant 0 : i32
    %dma_wait3A_15 = tpu.memref_slice %arg4[%mul3A_2, %dma_wait3A] : memref<327680x128xf32, #tpu.memory_space<hbm>> -> memref<80x128xf32, #tpu.memory_space<hbm>>
    %dma_wait3A_16 = arith.constant 0 : i32
    %dma_wait3A_17 = tpu.memref_slice %arg4[%mul3A_2, %dma_wait3A_16] : memref<327680x128xf32, #tpu.memory_space<hbm>> -> memref<80x128xf32, #tpu.memory_space<hbm>>
    tpu.wait_dma2 semaphore(%arg12 : memref<!tpu.dma_semaphore, #tpu.memory_space<semaphore_mem>>) src(%arg7 : memref<80x128xf32, #tpu.memory_space<vmem>>) dst(%dma_wait3A_17 : memref<80x128xf32, #tpu.memory_space<hbm>>)
    return
  }
}

</mosaic_0001>

<sc_bundles>
// kernel: _sc_gather.3.cloned.1.call-start
scs
__scs_entry_jumppad:
0x0: {  	(pc) =	sbr.rel $0x88, $3  }
0x1: {  	(tag) =	ssettag $0x0;
	lr =	simm.s32 $0x1  }
0x2: {  	[smem:$0x3F9F] =	sst lr;
	_ =	strace $0xD0000000  }
0x3: {  	_ = 	snop  }
0x4: {  	_ = 	snop  }
0x5: {  	_ = 	snop  }
0x6: {  	_ = 	snop  }
0x7: {  	_ = 	snop  }
__scs_overlays_trampoline_lowered:
0x8: {  	[smem:$0x3FAE] =	sst s0  }
0x9: {  	[smem:$0x3FAF] =	sst s1  }
0xa: {  	[smem:$0x3FB0] =	sst s2  }
0xb: {  	[smem:$0x3FB1] =	sst s3  }
0xc: {  	[smem:$0x3FB2] =	sst s4  }
0xd: {  	[smem:$0x3FB3] =	sst s5  }
0xe: {  	[smem:$0x3FB4] =	sst s6  }
0xf: {  	[smem:$0x3FB5] =	sst s7  }
0x10: {  	[smem:$0x3FB6] =	sst s8  }
0x11: {  	[smem:$0x3FB7] =	sst s9;
	s0 =	simm.s32 @!p0 $0x0  }
0x12: {  	s1 =	sld [smem:$0x3F9D];
	s0 =	simm.s32 @p0 $0x1  }
0x13: {  	[smem:$0x3FB8] =	sst s0;
	s0 =	simm.s32 @!p1 $0x0  }
0x14: {  	s2 =	sld [smem:$0x3F9C];
	s0 =	simm.s32 @p1 $0x1  }
0x15: {  	[smem:$0x3FB9] =	sst s0;
	s0 =	simm.s32 @!p2 $0x0  }
0x16: {  	s3 =	sld [smem:$0x3FDB];
	s0 =	simm.s32 @p2 $0x1  }
0x17: {  	s4 =	simm.s32 $0x1BF5;
	[smem:$0x3FBB] =	sst s0  }
0x18: {  	s0 =	sld [smem:$0x3F9E];
	_ =	swait.ge [sflag:s4], $0x0  }
0x19: {  	s7 =	sld [smem:$0x3F9F]  }
0x1a: {  	s8 =	sadd.s32 $0xFFFFE003, lr  }
0x1b: {  	s9 =	sadd.s32 $0xFFFFFEF7, lr;
	s5 =	simm.s32 $0xFFFFFFFF;
	p2 =	slt.u32 s8, $0xFFFFF086  }
0x1c: {  	p1 =	slt.u32 s9, $0xF7A;
	s5 =	simm.s32 @!p2 $0x0  }
0x1d: {  	s5 =	simm.s32 @p1 $0x1;
	p0 =	seq.s32 s7, s2  }
0x1e: {  	s7 =	smul.u32 @!p0 $0xF7A, s2;
	p2 =	seq.s32 @!p0 s5, $0x0  }
0x1f: {  	s9 =	smul.u32 $0xF7A, s1;
	s8 =	simm.s32 @!p0 $0x1BF5;
	p2 =	por !p2, p0  }
0x20: {  	[sflag:s8] =	ssyncset.s32 @!p0 $0xFFFFF086;
	s6 =	sadd.s32 @!p0 s3, s7;
	s7 =	simm.s32 @!p0 $0x108  }
0x21: {  	s3 =	sadd.s32 s3, s9;
	s6 =	sadd.s32 @!p0 $0x88, s6;
	s7 =	simm.s32 @p2 $0x1082  }
0x22: {  	[simem:s7], [sflag:s8] =	dma.local @!p0 [hbm:s6], $0xF7A  }
0x23: {  	s9 =	sor.u32 $0xD0000000, s2;
	s6 =	simm.s32 $0x108;
	_ =	swait.ge @!p0 [sflag:s8], $0x0  }
0x24: {  	s3 =	sadd.s32 $0x88, s3;
	s6 =	simm.s32 @!p1 $0x1082;
	[sflag:s4] =	ssyncset.s32 $0xFFFFF086  }
0x25: {  	[simem:s6], [sflag:s4] =	dma.local [hbm:s3], $0xF7A  }
0x26: {  	[smem:$0x3F9F] =	sst s1;
	(tag) =	ssettag s2;
	_ =	strace s9  }
0x27: {  	s1 =	sld [smem:$0x3FAF]  }
0x28: {  	s2 =	sld [smem:$0x3FB0]  }
0x29: {  	s4 =	sld [smem:$0x3FB2]  }
0x2a: {  	p0 =	seq.s32 s5, $0x0;
	s5 =	sld [smem:$0x3FB3]  }
0x2b: {  	s6 =	sld [smem:$0x3FB4]  }
0x2c: {  	s7 =	sld [smem:$0x3FB5]  }
0x2d: {  	s3 =	simm.s32 $0x108;
	s8 =	sld [smem:$0x3FB6]  }
0x2e: {  	s3 =	simm.s32 @!p0 $0x1082;
	s9 =	sld [smem:$0x3FB7]  }
0x2f: {  	lr =	sadd.s32 s0, s3;
	s0 =	sld [smem:$0x3FAE]  }
0x30: {  	s3 =	sld [smem:$0x3FB1]  }
0x31: {  	[smem:$0x3FBA] =	sst s10  }
0x32: {  	s10 =	sld [smem:$0x3FB8];
	_ =	sdelay $0x3  }
0x33: {  	p0 =	seq.s32 s10, $0x1;
	s10 =	sld [smem:$0x3FBA];
	_ =	sdelay $0x3  }
0x34: {  	[smem:$0x3FBA] =	sst s10  }
0x35: {  	s10 =	sld [smem:$0x3FB9];
	_ =	sdelay $0x3  }
0x36: {  	p1 =	seq.s32 s10, $0x1;
	s10 =	sld [smem:$0x3FBA];
	_ =	sdelay $0x3  }
0x37: {  	[smem:$0x3FBA] =	sst s10  }
0x38: {  	s10 =	sld [smem:$0x3FBB]  }
0x39: {  	_ = 	snop;
	(pc) =	sbr.ind lr, $3  }
0x3a: {  	_ = 	snop  }
0x3b: {  	_ = 	snop  }
0x3c: {  	p2 =	seq.s32 s10, $0x1;
	s10 =	sld [smem:$0x3FBA]  }
0x3d: {  	_ =	shalt  }
0x3e: {  	_ =	shalt  }
0x3f: {  	_ =	shalt  }
0x40: {  	_ =	shalt  }
0x41: {  	_ =	shalt  }
0x42: {  	_ =	shalt  }
0x43: {  	_ =	shalt  }
0x44: {  	_ =	shalt  }
0x45: {  	_ =	shalt  }
0x46: {  	_ =	shalt  }
0x47: {  	_ =	shalt  }
0x48: {  	_ =	shalt  }
0x49: {  	_ =	shalt  }
0x4a: {  	_ =	shalt  }
0x4b: {  	_ =	shalt  }
0x4c: {  	_ =	shalt  }
0x4d: {  	_ =	shalt  }
0x4e: {  	_ =	shalt  }
0x4f: {  	_ =	shalt  }
0x50: {  	_ =	shalt  }
0x51: {  	_ =	shalt  }
0x52: {  	_ =	shalt  }
0x53: {  	_ =	shalt  }
0x54: {  	_ =	shalt  }
0x55: {  	_ =	shalt  }
0x56: {  	_ =	shalt  }
0x57: {  	_ =	shalt  }
0x58: {  	_ =	shalt  }
0x59: {  	_ =	shalt  }
0x5a: {  	_ =	shalt  }
0x5b: {  	_ =	shalt  }
0x5c: {  	_ =	shalt  }
0x5d: {  	_ =	shalt  }
0x5e: {  	_ =	shalt  }
0x5f: {  	_ =	shalt  }
0x60: {  	_ =	shalt  }
0x61: {  	_ =	shalt  }
0x62: {  	_ =	shalt  }
0x63: {  	_ =	shalt  }
0x64: {  	_ =	shalt  }
0x65: {  	_ =	shalt  }
0x66: {  	_ =	shalt  }
0x67: {  	_ =	shalt  }
0x68: {  	_ =	shalt  }
0x69: {  	_ =	shalt  }
0x6a: {  	_ =	shalt  }
0x6b: {  	_ =	shalt  }
0x6c: {  	_ =	shalt  }
0x6d: {  	_ =	shalt  }
0x6e: {  	_ =	shalt  }
0x6f: {  	_ =	shalt  }
0x70: {  	_ =	shalt  }
0x71: {  	_ =	shalt  }
0x72: {  	_ =	shalt  }
0x73: {  	_ =	shalt  }
0x74: {  	_ =	shalt  }
0x75: {  	_ =	shalt  }
0x76: {  	_ =	shalt  }
0x77: {  	_ =	shalt  }
0x78: {  	_ =	shalt  }
0x79: {  	_ =	shalt  }
0x7a: {  	_ =	shalt  }
0x7b: {  	_ =	shalt  }
0x7c: {  	_ =	shalt  }
0x7d: {  	_ =	shalt  }
0x7e: {  	_ =	shalt  }
0x7f: {  	_ =	shalt  }
0x80: {  	_ =	shalt  }
0x81: {  	_ =	shalt  }
0x82: {  	_ =	shalt  }
0x83: {  	_ =	shalt  }
0x84: {  	_ =	shalt  }
0x85: {  	_ =	shalt  }
0x86: {  	_ =	shalt  }
0x87: {  	_ =	shalt  }
.Lfunc_end0:
.L_simem_size_0:
called_computation_lowered:
.L_overlay_start_0:
0x88: {  	s2 =	sld [smem:$0x3FD9]  }
0x89: {  	s3 =	sld [smem:$0x3FFE];
	_ =	sdelay $0x1  }
0x8a: {  	s1 =	srdreg.scid  }
0x8b: {  	s0 =	sand.u32 $0x1, s1  }
0x8c: {  	s18 =	sshll.u32 s0, $0xA;
	s2 =	sadd.s32 s3, s2  }
0x8d: {  	s2 =	sadd.s32 s2, s18  }
0x8e: {  	[smem:$0x3FC6] =	sst s2  }
0x8f: {  	_ = 	snop  }
0x90: {  	s2 =	sld [smem:$0x3FC9]  }
0x91: {  	s19 =	sld [smem:$0x3FC8]  }
0x92: {  	s4 =	sld [smem:$0x3FD0];
	(tm) =	ssettm $0x1  }
0x93: {  	s5 =	sld [smem:$0x3FFB];
	_ =	sdelay $0x3  }
0x94: {  	_ =	strace s5  }
0x95: {  	s5 =	sld [smem:$0x3FFC];
	_ =	sdelay $0x3  }
0x96: {  	_ =	strace s5  }
0x97: {  	s5 =	sld [smem:$0x3FFD];
	_ =	sdelay $0x3  }
0x98: {  	_ =	strace s5  }
0x99: {  	_ =	strace $0x8FFFFFFF  }
0x9a: {  	s20 =	sld [smem:$0x3FDB];
	_ =	sdelay $0x1  }
0x9b: {  	s6 =	simm.s32 $_scs_section_size  }
0x9c: {  	s7 =	simm.s32 $_size__tile_overlayer_lowered;
	s8 =	simm.s32 $_tile_overlayer_lowered  }
0x9d: {  	s23 =	simm.s32 $0x1BFF;
	s22 =	sshll.u32 s8, $0x1;
	s5 =	sadd.s32 s6, s20  }
0x9e: {  	s9 =	simm.s32 $0x0;
	s21 =	sshll.u32 s7, $0x1;
	s7 =	sadd.s32 s22, s5  }
0x9f: {  	[timem:s9], [sflag:s23] =	dma.local [hbm:s7], s21  }
0xa0: {  	_ =	swait.ge [sflag:s23], s21  }
0xa1: {  	s6 =	ssub.s32 $0x0, s21;
	[sflag:s23] =	ssyncset.done $0x0  }
0xa2: {  	[sflag:s23] =	ssyncadd.s32 s6;
	_ =	sdelay $0x1  }
0xa3: {  	s24 =	simm.s32 $0x1B8B  }
0xa4: {  	_ =	swait.ge [sflag:s24], $0x1  }
0xa5: {  	[sflag:s24] =	ssyncset.done $0x0  }
0xa6: {  	s25 =	simm.s32 $0x1B8E;
	[sflag:s24] =	ssyncadd.s32 $0xFFFFFFFF  }
0xa7: {  	s26 =	simm.s32 $execute0_lowered;
	[smem:$0x3FD2] =	sst s25  }
0xa8: {  	s6 =	sshll.u32 s26, $0x1;
	_ =	strace $0x80000046;
	[dreg:$0x1] =	wrdreg $0xFFFFFFFF  }
0xa9: {  	s28 =	simm.s32 $_size_execute0_lowered;
	s5 =	sadd.s32 s5, s6;
	[dreg:$0x0] =	wrdreg $0x0  }
0xaa: {  	s6 =	sshll.u32 s28, $0x1;
	[dreg:$0x2] =	wrdreg s5  }
0xab: {  	[dreg:$0x3] =	wrdreg s6  }
0xac: {  	[dreg:$0x4] =	wrdreg $0xC0  }
0xad: {  	_ =	task [dreg:s9], $0x5FFFF  }
0xae: {  	[dreg:$0x1] =	wrdreg $0xFFFFFFFF  }
0xaf: {  	[dreg:$0x0] =	wrdreg $0x60  }
0xb0: {  	[dreg:$0x2] =	wrdreg s2  }
0xb1: {  	[dreg:$0x3] =	wrdreg s19  }
0xb2: {  	[dreg:$0x4] =	wrdreg s4  }
0xb3: {  	[dreg:$0x5] =	wrdreg $0x78000  }
0xb4: {  	[dreg:$0x6] =	wrdreg $0x9  }
0xb5: {  	_ =	task.clear_ibuf [dreg:s9], $0x7FFFF;
	_ =	strace $0x90000046  }
0xb6: {  	s29 =	simm.s32 $0x9;
	_ =	strace $0x80000048  }
0xb7: {  	_ =	swait.ge [sflag:s29], $0x1  }
0xb8: {  	[sflag:s29] =	ssyncadd.s32 $0xFFFFFFFF  }
0xb9: {  	_ =	strace $0x90000048  }
0xba: {  	_ =	sfence  }
0xbb: {  	s30 =	sld [smem:$0x0];
	_ =	sdelay $0x2  }
0xbc: {  	s31 =	sshll.u32 s1, $0xD;
	s1 =	sshrl.u32 s1, $0x2  }
0xbd: {  	s3 =	sand.u32 $0x4000, s31;
	s1 =	sadd.s32 s1, s30  }
0xbe: {  	s0 =	sor.u32 s3, s0;
	s1 =	sshll.u32 s1, $0x11  }
0xbf: {  	s0 =	sor.u32 s1, s0  }
0xc0: {  	s0 =	sadd.s32 $0x8F2B, s0  }
0xc1: {  	[sflag:s0] =	ssyncadd.remote.s32 $0x1  }
0xc2: {  	_ =	sfence.sel $0xFFFF  }
0xc3: {  	[dreg:$0x0] =	wrdreg $0xFFFFFFFF;
	(pc) =	sbr.abs _section_cstart, $3  }
0xc4: {  	[dreg:$0x1] =	wrdreg $0xFFFFFFFF  }
0xc5: {  	_ =	task.clear_ibuf [dreg:s9], $0x2FFFF;
	_ =	strace $0x9FFFFFFF  }
0xc6: {  	(tm) =	ssettm $0x7FFFFFFF  }
0xc7: {  	_ =	shalt  }
tec
execute0_lowered:
.L_overlay_start_1:
0x0: {  	(tag) =	ssettag $0x1  }
0x1: {  	s6 =	rddreg [dreg:$0x0]  }
0x2: {  	s7 =	rddreg [dreg:$0x1]  }
0x3: {  	s11 =	rddreg [dreg:$0x2]  }
0x4: {  	s1 =	rddreg [dreg:$0x3]  }
0x5: {  	s0 =	rddreg [dreg:$0x4]  }
0x6: {  	s3 =	simm.s32 $0x0;
	s4 =	srdreg.scid;
	s2 =	stileid.u32  }
0x7: {  	s17 =	simm.s32 $0x50;
	s18 =	simm.s32 $0x2800;
	s19 =	simm.s32 $0x5000  }
0x8: {  	s20 =	simm.s32 $0x1;
	s21 =	simm.s32 $0x3;
	s22 =	simm.s32 $0xA0  }
0x9: {  	s23 =	simm.s32 $0x2;
	s24 =	simm.s32 $0x4;
	[smem:$0x7FF] =	sst s3  }
0xa: {  	s9 =	sand.u32 $0x1, s4;
	s5 =	sshll.u32 s2, $0x1;
	s8 =	smul.u32 $0x4E000, s2  }
0xb: {  	s25 =	smul.u32 $0x2700, s2;
	s28 =	sshll.u32 s2, $0x6;
	s16 =	sadd.s32 $0x138000, s1  }
0xc: {  	s31 =	smul.u32 $0x50000, s2;
	p0 =	sne.s32 s2, $0xF;
	_ =	strace $0x80000047  }
0xd: {  	s4 =	ssub.s32 $0x2, s9;
	s12 =	sor.u32 s9, s5;
	s15 =	smul.u32 $0x28000, s9  }
0xe: {  	s5 =	sor.u32 $0x1C05, s28;
	s16 =	sshrl.u32 @!p0 s16, $0x3;
	s13 =	smul.u32 $0x2800, s12  }
0xf: {  	s10 =	sshrl.u32 s4, $0x1;
	s26 =	sshrl.u32 s8, $0x2;
	s29 =	smul.u32 $0x28000, s12  }
0x10: {  	s10 =	ssub.s32 s4, s10;
	s14 =	sadd.s32 s26, s1;
	s4 =	sadd.s32 s6, s25  }
0x11: {  	s6 =	sadd.s32 $0x27000, s6;
	s25 =	simm.s32 $0x27B0;
	s26 =	simm.s32 $0x0  }
0x12: {  	s30 =	sshrl.u32 s13, $0x3;
	s8 =	sadd.s32 s11, s29;
	s9 =	smax.u32 s10, $0x1  }
0x13: {  	s13 =	sadd.s32 s31, s11;
	s14 =	sshrl.u32 s14, $0x3;
	s7 =	sadd.s32 s7, s30  }
0x14: {  	s10 =	sadd.s32 $0x500, s8;
	s11 =	sadd.s32 $0x27600, s8;
	s13 =	sadd.s32 s15, s13  }
0x15: {  	s12 =	sadd.s32 $0x27B00, s8;
	s15 =	simm.s32 $0x5;
	s13 =	sadd.s32 $0xA00, s13  }
.LBB2_1:
0x16: {  	[spmem:s14], [sflag:s5] =	dma.local [hbm:s4], $0x2700  }
0x17: {  	_ =	swait.ge [sflag:s15], $0x2700  }
0x18: {  	[sflag:s15] =	ssyncset.done $0x0  }
0x19: {  	s28 =	simm.s32 @!p0 $0x5;
	[sflag:s15] =	ssyncadd.s32 $0xFFFFD900  }
0x1a: {  	[spmem:s16], [sflag:s5] =	dma.local @!p0 [hbm:s6], $0x100  }
0x1b: {  	_ =	swait.ge @!p0 [sflag:s28], $0x100  }
0x1c: {  	[sflag:s28] =	ssyncset.done @!p0 $0x0  }
0x1d: {  	[sflag:s28] =	ssyncadd.s32 @!p0 $0xFFFFFF00  }
0x1e: {  	[tilespmem:s3], [sflag:$0x5] =	stream.linear.gather [hbm4b:s7+s3], $0x2800, $0x38;
	[tilespmem:$0x1B080] =	vst v63  }
0x1f: {  	_ =	swait.ge [sflag:s15], $0x2800  }
0x20: {  	[sflag:s15] =	ssyncset.done $0x0  }
0x21: {  	[sflag:s15] =	ssyncadd.s32 $0xFFFFD800  }
0x22: {  	[bflag:$0x0] =	sbarrier.arrive $0xFFFF  }
0x23: {  	[tilespmem:s18], [sflag:$0x1] =	stream.indirect.gather [spmem:s1], $0x80, s3, s17, $0xb8;
	[tilespmem:$0x1B080] =	vst v63  }
0x24: {  	_ = 	snop  }
0x25: {  	[tilespmem:s19], [sflag:$0x2] =	stream.indirect.gather [spmem:s1], $0x80, s17, s17, $0xb8;
	[tilespmem:$0x1B080] =	vst v63  }
0x26: {  	_ =	swait.ge [sflag:s20], $0x2800  }
0x27: {  	[sflag:s20] =	ssyncset.done $0x0  }
0x28: {  	[sflag:s20] =	ssyncadd.s32 $0xFFFFD800  }
0x29: {  	[hbm4b:s8+s3] =	stream.linear.scatter [tilespmem:s18], [sflag:$0x3], $0x2800, $0x38;
	[tilespmem:$0x1B080] =	vst v63  }
0x2a: {  	_ =	swait.ge [sflag:s21], $0x2800  }
0x2b: {  	[sflag:s21] =	ssyncset.done $0x0  }
0x2c: {  	[sflag:s21] =	ssyncadd.s32 $0xFFFFD800  }
0x2d: {  	[tilespmem:s18], [sflag:$0x1] =	stream.indirect.gather [spmem:s1], $0x80, s22, s17, $0xb8;
	[tilespmem:$0x1B080] =	vst v63  }
0x2e: {  	_ =	swait.ge [sflag:s23], $0x2800  }
0x2f: {  	[sflag:s23] =	ssyncset.done $0x0  }
0x30: {  	[sflag:s23] =	ssyncadd.s32 $0xFFFFD800  }
0x31: {  	[hbm4b:s10+s3] =	stream.linear.scatter [tilespmem:s19], [sflag:$0x4], $0x2800, $0x38;
	[tilespmem:$0x1B080] =	vst v63  }
0x32: {  	_ =	swait.ge [sflag:s24], $0x2800  }
0x33: {  	[sflag:s24] =	ssyncset.done $0x0  }
0x34: {  	s28 =	simm.s32 $0xF0;
	[sflag:s24] =	ssyncadd.s32 $0xFFFFD800  }
0x35: {  	[tilespmem:s19], [sflag:$0x2] =	stream.indirect.gather [spmem:s1], $0x80, s28, s17, $0xb8;
	[tilespmem:$0x1B080] =	vst v63  }
0x36: {  	_ =	swait.ge [sflag:s20], $0x2800  }
0x37: {  	[sflag:s20] =	ssyncset.done $0x0  }
0x38: {  	[sflag:s20] =	ssyncadd.s32 $0xFFFFD800  }
0x39: {  	[hbm4b:s13+s3] =	stream.linear.scatter [tilespmem:s18], [sflag:$0x3], $0x2800, $0x38;
	[tilespmem:$0x1B080] =	vst v63  }
0x3a: {  	_ =	swait.ge [sflag:s21], $0x2800  }
0x3b: {  	[sflag:s21] =	ssyncset.done $0x0  }
0x3c: {  	s28 =	simm.s32 $0x140;
	[sflag:s21] =	ssyncadd.s32 $0xFFFFD800  }
0x3d: {  	[tilespmem:s18], [sflag:$0x1] =	stream.indirect.gather [spmem:s1], $0x80, s28, s17, $0xb8;
	[tilespmem:$0x1B080] =	vst v63  }
0x3e: {  	_ =	swait.ge [sflag:s23], $0x2800  }
0x3f: {  	s30 =	sadd.s32 $0x500, s13;
	[sflag:s23] =	ssyncset.done $0x0  }
0x40: {  	s29 =	sadd.s32 $0xA00, s13;
	s28 =	simm.s32 $0x280;
	[sflag:s23] =	ssyncadd.s32 $0xFFFFD800  }
.LBB2_2:
0x41: {  	[hbm4b:s30+s3] =	stream.linear.scatter [tilespmem:s19], [sflag:$0x4], $0x2800, $0x38;
	[tilespmem:$0x1B080] =	vst v63  }
0x42: {  	s30 =	smov.u32 s28  }
0x43: {  	p1 =	sne.s32 s28, $0x9880;
	s28 =	sadd.s32 $0x280, s28;
	_ =	swait.ge [sflag:s24], $0x2800  }
0x44: {  	s30 =	sshra.s32 s30, $0x2;
	[sflag:s24] =	ssyncset.done $0x0  }
0x45: {  	s31 =	sadd.s32 $0xF0, s30;
	[sflag:s24] =	ssyncadd.s32 $0xFFFFD800  }
0x46: {  	[tilespmem:s19], [sflag:$0x2] =	stream.indirect.gather [spmem:s1], $0x80, s31, s17, $0xb8;
	[tilespmem:$0x1B080] =	vst v63  }
0x47: {  	_ =	swait.ge [sflag:s20], $0x2800  }
0x48: {  	[sflag:s20] =	ssyncset.done $0x0  }
0x49: {  	[sflag:s20] =	ssyncadd.s32 $0xFFFFD800  }
0x4a: {  	[hbm4b:s29+s3] =	stream.linear.scatter [tilespmem:s18], [sflag:$0x3], $0x2800, $0x38;
	[tilespmem:$0x1B080] =	vst v63  }
0x4b: {  	_ =	swait.ge [sflag:s21], $0x2800  }
0x4c: {  	[sflag:s21] =	ssyncset.done $0x0  }
.Ltmp0:
0x4d: {  	s30 =	sadd.s32 $0x140, s30;
	[sflag:s21] =	ssyncadd.s32 $0xFFFFD800;
	(pc) =	sbr.rel @p1 .LBB2_2-.Ltmp0, $4  }
0x4e: {  	[tilespmem:s18], [sflag:$0x1] =	stream.indirect.gather [spmem:s1], $0x80, s30, s17, $0xb8;
	[tilespmem:$0x1B080] =	vst v63  }
0x4f: {  	_ =	swait.ge [sflag:s23], $0x2800  }
0x50: {  	[sflag:s23] =	ssyncset.done $0x0  }
0x51: {  	s30 =	sadd.s32 $0x500, s29;
	s29 =	sadd.s32 $0xA00, s29;
	[sflag:s23] =	ssyncadd.s32 $0xFFFFD800  }
0x52: {  	[hbm4b:s30+s3] =	stream.linear.scatter [tilespmem:s19], [sflag:$0x4], $0x2800, $0x38;
	[tilespmem:$0x1B080] =	vst v63  }
0x53: {  	_ =	swait.ge [sflag:s24], $0x2800  }
0x54: {  	[sflag:s24] =	ssyncset.done $0x0  }
0x55: {  	[sflag:s24] =	ssyncadd.s32 $0xFFFFD800  }
0x56: {  	[tilespmem:s19], [sflag:$0x2] =	stream.indirect.gather [spmem:s1], $0x80, s25, s17, $0xb8;
	[tilespmem:$0x1B080] =	vst v63  }
0x57: {  	_ =	swait.ge [sflag:s20], $0x2800  }
0x58: {  	[sflag:s20] =	ssyncset.done $0x0  }
0x59: {  	[sflag:s20] =	ssyncadd.s32 $0xFFFFD800  }
0x5a: {  	[hbm4b:s11+s3] =	stream.linear.scatter [tilespmem:s18], [sflag:$0x3], $0x2800, $0x38;
	[tilespmem:$0x1B080] =	vst v63  }
0x5b: {  	_ =	swait.ge [sflag:s21], $0x2800  }
0x5c: {  	[sflag:s21] =	ssyncset.done $0x0  }
0x5d: {  	[sflag:s21] =	ssyncadd.s32 $0xFFFFD800  }
0x5e: {  	s26 =	sadd.s32 $0x1, s26;
	_ =	swait.ge [sflag:s23], $0x2800  }
0x5f: {  	p1 =	sne.s32 s26, s9;
	[sflag:s23] =	ssyncset.done $0x0  }
.Ltmp1:
0x60: {  	[sflag:s23] =	ssyncadd.s32 $0xFFFFD800;
	(pc) =	sbr.rel @p1 .LBB2_1-.Ltmp1, $4  }
0x61: {  	[hbm4b:s12+s3] =	stream.linear.scatter [tilespmem:s19], [sflag:$0x4], $0x2800, $0x38;
	[tilespmem:$0x1B080] =	vst v63  }
0x62: {  	_ =	swait.ge [sflag:s24], $0x2800  }
0x63: {  	[sflag:s24] =	ssyncset.done $0x0  }
0x64: {  	[sflag:s24] =	ssyncadd.s32 $0xFFFFD800  }
0x65: {  	_ =	sfence.sel $0x180000  }
0x66: {  	[bflag:$0x0] =	sbarrier.arrive $0xFFFF  }
0x67: {  	p0 =	sne.s32 s2, $0x0;
	_ =	strace $0x90000047  }
0x68: {  	s0 =	sadd.s32 @!p0 $0x100000, s0;
	[bflag:$0x2] =	sbarrier.arrive $0xFFFF  }
0x69: {  	[sflag:s0] =	ssyncadd.tile.s32 @!p0 $0x1;
	_ =	shalt  }
.Lfunc_end2:
_tile_overlayer_lowered:
.L_overlay_start_2:
0x6a: {  	(tag) =	ssettag $0x2  }
0x6b: {  	s0 =	rddreg [dreg:$0x0];
	s2 =	stileid.u32  }
0x6c: {  	s1 =	rddreg [dreg:$0x1];
	p0 =	sne.s32 s2, $0x0  }
0x6d: {  	s3 =	rddreg [dreg:$0x2];
	[bflag:$0x3] =	sbarrier.arrive $0xFFFF;
	s2 =	simm.s32 @!p0 $0x1C05  }
0x6e: {  	[timem:s3], [sflag:s2] =	dma.local @!p0 [hbm:s0], s1  }
0x6f: {  	s0 =	simm.s32 @!p0 $0x5  }
0x70: {  	_ =	swait.ge @!p0 [sflag:s0], s1  }
0x71: {  	s1 =	ssub.s32 @!p0 $0x0, s1;
	[sflag:s0] =	ssyncset.done @!p0 $0x0  }
0x72: {  	[sflag:s0] =	ssyncadd.s32 @!p0 s1  }
0x73: {  	[bflag:$0x3] =	sbarrier.arrive $0xFFFF  }
0x74: {  	_ =	shalt  }

</sc_bundles>
